<compile_context>
chip_gen: v7x
topology: tpu7x:2x2x1
jax: 0.10.2.dev20260603
libtpu: 0.0.44.dev20260713+nightly
codegen_flags: <defaults>
</compile_context>

<pallas_src>
import jax
import jax.numpy as jnp
from jax import lax
from jax.experimental import pallas as pl
from jax.experimental.pallas import tpu as pltpu
from jax.experimental.pallas import tpu_sc as plsc

VOCAB = 1000000
EMBED_DIM = 64
BATCH = 4096
HIST_LEN = 200

_SC_INFO = plsc.get_sparse_core_info()
NC = _SC_INFO.num_cores
NS = _SC_INFO.num_subcores
NW = NC * NS
B_W = BATCH // NW
IDX_W = B_W * HIST_LEN

SCORE_BLOCK = 20000
SUB = 8
SUB_N = SCORE_BLOCK // SUB


def _scores_body(tb_ref, w_ref, b_ref, out_ref):
    b = b_ref[0, 0]
    for k in range(SUB):
        s = lax.dot_general(
            w_ref[...], tb_ref[pl.ds(k * SUB_N, SUB_N), :],
            (((1,), (1,)), ((), ())),
            preferred_element_type=jnp.float32,
        ) + b
        out_ref[0, k, :] = s[0]


def _compute_scores(table, fc_W, fc_b):
    grid = VOCAB // SCORE_BLOCK
    return pl.pallas_call(
        _scores_body,
        grid=(grid,),
        in_specs=[
            pl.BlockSpec((SCORE_BLOCK, EMBED_DIM), lambda i: (i, 0)),
            pl.BlockSpec((1, EMBED_DIM), lambda i: (0, 0)),
            pl.BlockSpec((1, 1), lambda i: (0, 0)),
        ],
        out_specs=pl.BlockSpec((1, SUB, SUB_N), lambda i: (i, 0, 0)),
        out_shape=jax.ShapeDtypeStruct((grid, SUB, SUB_N), jnp.float32),
    )(table, fc_W.reshape(1, EMBED_DIM), fc_b.reshape(1, 1))


def _pool_body(scores_hbm, idx_hbm, out_hbm, idx_v, g_v, out_v, sem0, sem1):
    wid = lax.axis_index("s") * NC + lax.axis_index("c")
    base = wid * IDX_W
    half = IDX_W // 2
    pltpu.sync_copy(idx_hbm.at[pl.ds(base, half)], idx_v.at[pl.ds(0, half)])
    c0 = pltpu.async_copy(
        scores_hbm.at[idx_v.at[pl.ds(0, half)]], g_v.at[pl.ds(0, half)], sem0
    )
    pltpu.sync_copy(
        idx_hbm.at[pl.ds(base + half, half)], idx_v.at[pl.ds(half, half)]
    )
    c1 = pltpu.async_copy(
        scores_hbm.at[idx_v.at[pl.ds(half, half)]],
        g_v.at[pl.ds(half, half)],
        sem1,
    )

    inv_len = jnp.float32(1.0 / HIST_LEN)
    n_groups = B_W // 16

    def pos_body(p, accs):
        off = p * B_W
        return tuple(
            accs[g] + g_v[pl.ds(off + g * 16, 16)] for g in range(n_groups)
        )

    zero = jnp.zeros((16,), jnp.float32)
    c0.wait()
    accs = lax.fori_loop(0, HIST_LEN // 2, pos_body, (zero,) * n_groups)
    c1.wait()
    accs = lax.fori_loop(HIST_LEN // 2, HIST_LEN, pos_body, accs)
    for g in range(n_groups):
        out_v[pl.ds(g * 16, 16)] = accs[g] * inv_len
    pltpu.sync_copy(out_v, out_hbm.at[pl.ds(wid * B_W, B_W)])


def kernel(x, embedding_weights, fc_W, fc_b):
    scores = _compute_scores(embedding_weights, fc_W, fc_b).reshape(VOCAB)
    xp = (
        x.astype(jnp.int32)
        .reshape(NW, B_W, HIST_LEN)
        .transpose(0, 2, 1)
        .reshape(-1)
    )

    pool = pl.kernel(
        _pool_body,
        out_type=jax.ShapeDtypeStruct((BATCH,), jnp.float32),
        mesh=plsc.VectorSubcoreMesh(core_axis_name="c", subcore_axis_name="s"),
        scratch_types=[
            pltpu.VMEM((IDX_W,), jnp.int32),
            pltpu.VMEM((IDX_W,), jnp.float32),
            pltpu.VMEM((B_W,), jnp.float32),
            pltpu.SemaphoreType.DMA,
            pltpu.SemaphoreType.DMA,
        ],
    )
    out = pool(scores, xp)
    return out.reshape(BATCH, 1)

# --- scband reference (transcript-rebuilt; emitter-appended) ---
"""Pipeline reference for scband-bc1-65283502899255 (READ-ONLY COPY).

The authoritative reference and input builder live on the scoring server;
editing this copy changes nothing except your own understanding.
"""

import jax, jax.numpy as jnp
import numpy as np

VOCAB = 1000000
EMBED_DIM = 64
BATCH = 4096
HIST_LEN = 200


def setup_inputs(seed: int = 0) -> dict:
    key = jax.random.key(seed)
    k1, k2, k3 = jax.random.split(key, 3)
    x = jax.random.randint(k1, (BATCH, HIST_LEN), 0, VOCAB, dtype=jnp.int64 if jax.config.read('jax_enable_x64') else jnp.int32)
    embedding_weights = jax.random.normal(k2, (VOCAB, EMBED_DIM), dtype=jnp.float32) * 0.02
    fc_W = jax.random.normal(k3, (EMBED_DIM, 1), dtype=jnp.float32) * (1.0 / np.sqrt(EMBED_DIM))
    fc_b = jnp.zeros((1,), dtype=jnp.float32)
    return {"x": x, "embedding_weights": embedding_weights, "fc_W": fc_W, "fc_b": fc_b}


def reference(x, embedding_weights, fc_W, fc_b):
    # Embedding lookup (gather): table[idx]
    emb = jnp.take(embedding_weights, x, axis=0)  # [B, L, D]
    # Mean pool over sequence dim
    pooled = jnp.mean(emb, axis=1)  # [B, D]
    # Linear layer
    out = pooled @ fc_W + fc_b  # [B, 1]
    return out

if __name__ == "__main__":
    import jax
    _d = setup_inputs()
    print(jax.jit(kernel)(*tuple(_d.values())))

</pallas_src>

<mosaic_0001>
#map = affine_map<(d0, d1) -> (0)>
module attributes {stable_mosaic.version = 14 : i64} {
  func.func @_pool_body(%arg0: i32, %arg1: i32, %arg2: memref<1000000xf32, #tpu.memory_space<hbm>>, %arg3: memref<819200xi32, #tpu.memory_space<hbm>>, %arg4: memref<4096xf32, #tpu.memory_space<hbm>>, %arg5: memref<25600xi32, #tpu.memory_space<vmem>>, %arg6: memref<25600xf32, #tpu.memory_space<vmem>>, %arg7: memref<128xf32, #tpu.memory_space<vmem>>, %arg8: memref<!tpu.dma_semaphore, #tpu.memory_space<semaphore_mem>>, %arg9: memref<!tpu.dma_semaphore, #tpu.memory_space<semaphore_mem>>) attributes {dimension_semantics = [#tpu.dimension_semantics<core_parallel>, #tpu.dimension_semantics<subcore_parallel>], iteration_bounds = array<i64: 2, 16>, scalar_prefetch = 0 : i64, scratch_operands = 5 : i64, tpu.core_type = #tpu.core_type<sc_vector_subcore>, window_params = [{transform_indices = #map}, {transform_indices = #map}, {transform_indices = #map}]} {
    %mul3A = arith.constant 2 : i32
    %mul3A_0 = arith.muli %arg1, %mul3A : i32
    %add3A = arith.addi %mul3A_0, %arg0 : i32
    %mul3A_1 = arith.constant 25600 : i32
    %mul3A_2 = arith.muli %add3A, %mul3A_1 : i32
    "tpu.region"() ({
      %run_scoped3A = tpu.sem_alloc : memref<!tpu.dma_semaphore, #tpu.memory_space<semaphore_mem>>
      %dma_start3A_96 = arith.constant 0 : i32
      %dma_start3A_97 = tpu.memref_slice %arg5[%dma_start3A_96] : memref<25600xi32, #tpu.memory_space<vmem>> -> memref<12800xi32, #tpu.memory_space<vmem>>
      %dma_start3A_98 = tpu.memref_slice %arg3[%mul3A_2] : memref<819200xi32, #tpu.memory_space<hbm>> -> memref<12800xi32, #tpu.memory_space<hbm>>
      %dma_start3A_99 = arith.constant 0 : i32
      %dma_start3A_100 = tpu.memref_slice %arg5[%dma_start3A_99] : memref<25600xi32, #tpu.memory_space<vmem>> -> memref<12800xi32, #tpu.memory_space<vmem>>
      %dma_start3A_101 = tpu.memref_slice %arg3[%mul3A_2] : memref<819200xi32, #tpu.memory_space<hbm>> -> memref<12800xi32, #tpu.memory_space<hbm>>
      tpu.enqueue_dma source(%dma_start3A_101 : memref<12800xi32, #tpu.memory_space<hbm>>) target(%dma_start3A_100 : memref<12800xi32, #tpu.memory_space<vmem>>) target_semaphore(%run_scoped3A : memref<!tpu.dma_semaphore, #tpu.memory_space<semaphore_mem>>)
      %dma_wait3A_102 = arith.constant 0 : i32
      %dma_wait3A_103 = tpu.memref_slice %arg5[%dma_wait3A_102] : memref<25600xi32, #tpu.memory_space<vmem>> -> memref<12800xi32, #tpu.memory_space<vmem>>
      %dma_wait3A_104 = tpu.memref_slice %arg3[%mul3A_2] : memref<819200xi32, #tpu.memory_space<hbm>> -> memref<12800xi32, #tpu.memory_space<hbm>>
      %dma_wait3A_105 = arith.constant 0 : i32
      %dma_wait3A_106 = tpu.memref_slice %arg5[%dma_wait3A_105] : memref<25600xi32, #tpu.memory_space<vmem>> -> memref<12800xi32, #tpu.memory_space<vmem>>
      %dma_wait3A_107 = tpu.memref_slice %arg3[%mul3A_2] : memref<819200xi32, #tpu.memory_space<hbm>> -> memref<12800xi32, #tpu.memory_space<hbm>>
      tpu.wait_dma2 semaphore(%run_scoped3A : memref<!tpu.dma_semaphore, #tpu.memory_space<semaphore_mem>>) src(%dma_wait3A_107 : memref<12800xi32, #tpu.memory_space<hbm>>) dst(%dma_wait3A_106 : memref<12800xi32, #tpu.memory_space<vmem>>)
      tpu.yield
    }) : () -> ()
    %dma_start3A = arith.constant 0 : i32
    %dma_start3A_3 = tpu.memref_slice %arg6[%dma_start3A] : memref<25600xf32, #tpu.memory_space<vmem>> -> memref<12800xf32, #tpu.memory_space<vmem>>
    %dma_start3A_4 = arith.constant 0 : i32
    %dma_start3A_5 = tpu.memref_slice %arg5[%dma_start3A_4] : memref<25600xi32, #tpu.memory_space<vmem>> -> memref<12800xi32, #tpu.memory_space<vmem>>
    %dma_start3A_6 = arith.constant 0 : i32
    %dma_start3A_7 = tpu.memref_slice %arg2[%dma_start3A_6] : memref<1000000xf32, #tpu.memory_space<hbm>> -> memref<1000000xf32, #tpu.memory_space<hbm>>
    tpu.enqueue_indirect_dma source(%dma_start3A_7 : memref<1000000xf32, #tpu.memory_space<hbm>>) target(%dma_start3A_3 : memref<12800xf32, #tpu.memory_space<vmem>>) offsets(%dma_start3A_5 : memref<12800xi32, #tpu.memory_space<vmem>>) semaphore(%arg8 : memref<!tpu.dma_semaphore, #tpu.memory_space<semaphore_mem>>)
    %add3A_8 = arith.constant 12800 : i32
    %add3A_9 = arith.addi %mul3A_2, %add3A_8 : i32
    "tpu.region"() ({
      %run_scoped3A = tpu.sem_alloc : memref<!tpu.dma_semaphore, #tpu.memory_space<semaphore_mem>>
      %dma_start3A_96 = arith.constant 12800 : i32
      %dma_start3A_97 = tpu.memref_slice %arg5[%dma_start3A_96] : memref<25600xi32, #tpu.memory_space<vmem>> -> memref<12800xi32, #tpu.memory_space<vmem>>
      %dma_start3A_98 = tpu.memref_slice %arg3[%add3A_9] : memref<819200xi32, #tpu.memory_space<hbm>> -> memref<12800xi32, #tpu.memory_space<hbm>>
      %dma_start3A_99 = arith.constant 12800 : i32
      %dma_start3A_100 = tpu.memref_slice %arg5[%dma_start3A_99] : memref<25600xi32, #tpu.memory_space<vmem>> -> memref<12800xi32, #tpu.memory_space<vmem>>
      %dma_start3A_101 = tpu.memref_slice %arg3[%add3A_9] : memref<819200xi32, #tpu.memory_space<hbm>> -> memref<12800xi32, #tpu.memory_space<hbm>>
      tpu.enqueue_dma source(%dma_start3A_101 : memref<12800xi32, #tpu.memory_space<hbm>>) target(%dma_start3A_100 : memref<12800xi32, #tpu.memory_space<vmem>>) target_semaphore(%run_scoped3A : memref<!tpu.dma_semaphore, #tpu.memory_space<semaphore_mem>>)
      %dma_wait3A_102 = arith.constant 12800 : i32
      %dma_wait3A_103 = tpu.memref_slice %arg5[%dma_wait3A_102] : memref<25600xi32, #tpu.memory_space<vmem>> -> memref<12800xi32, #tpu.memory_space<vmem>>
      %dma_wait3A_104 = tpu.memref_slice %arg3[%add3A_9] : memref<819200xi32, #tpu.memory_space<hbm>> -> memref<12800xi32, #tpu.memory_space<hbm>>
      %dma_wait3A_105 = arith.constant 12800 : i32
      %dma_wait3A_106 = tpu.memref_slice %arg5[%dma_wait3A_105] : memref<25600xi32, #tpu.memory_space<vmem>> -> memref<12800xi32, #tpu.memory_space<vmem>>
      %dma_wait3A_107 = tpu.memref_slice %arg3[%add3A_9] : memref<819200xi32, #tpu.memory_space<hbm>> -> memref<12800xi32, #tpu.memory_space<hbm>>
      tpu.wait_dma2 semaphore(%run_scoped3A : memref<!tpu.dma_semaphore, #tpu.memory_space<semaphore_mem>>) src(%dma_wait3A_107 : memref<12800xi32, #tpu.memory_space<hbm>>) dst(%dma_wait3A_106 : memref<12800xi32, #tpu.memory_space<vmem>>)
      tpu.yield
    }) : () -> ()
    %dma_start3A_10 = arith.constant 12800 : i32
    %dma_start3A_11 = tpu.memref_slice %arg6[%dma_start3A_10] : memref<25600xf32, #tpu.memory_space<vmem>> -> memref<12800xf32, #tpu.memory_space<vmem>>
    %dma_start3A_12 = arith.constant 12800 : i32
    %dma_start3A_13 = tpu.memref_slice %arg5[%dma_start3A_12] : memref<25600xi32, #tpu.memory_space<vmem>> -> memref<12800xi32, #tpu.memory_space<vmem>>
    %dma_start3A_14 = arith.constant 0 : i32
    %dma_start3A_15 = tpu.memref_slice %arg2[%dma_start3A_14] : memref<1000000xf32, #tpu.memory_space<hbm>> -> memref<1000000xf32, #tpu.memory_space<hbm>>
    tpu.enqueue_indirect_dma source(%dma_start3A_15 : memref<1000000xf32, #tpu.memory_space<hbm>>) target(%dma_start3A_11 : memref<12800xf32, #tpu.memory_space<vmem>>) offsets(%dma_start3A_13 : memref<12800xi32, #tpu.memory_space<vmem>>) semaphore(%arg9 : memref<!tpu.dma_semaphore, #tpu.memory_space<semaphore_mem>>)
    %broadcast_in_dim3A = arith.constant 0.000000e+00 : f32
    %broadcast_in_dim3A_16 = vector.broadcast %broadcast_in_dim3A : f32 to vector<16xf32>
    %dma_wait3A = arith.constant 0 : i32
    %dma_wait3A_17 = tpu.memref_slice %arg6[%dma_wait3A] : memref<25600xf32, #tpu.memory_space<vmem>> -> memref<12800xf32, #tpu.memory_space<vmem>>
    %dma_wait3A_18 = arith.constant 0 : i32
    %dma_wait3A_19 = tpu.memref_slice %arg5[%dma_wait3A_18] : memref<25600xi32, #tpu.memory_space<vmem>> -> memref<12800xi32, #tpu.memory_space<vmem>>
    %dma_wait3A_20 = arith.constant 0 : i32
    %dma_wait3A_21 = tpu.memref_slice %arg2[%dma_wait3A_20] : memref<1000000xf32, #tpu.memory_space<hbm>> -> memref<1000000xf32, #tpu.memory_space<hbm>>
    tpu.wait_indirect_dma semaphore(%arg8 : memref<!tpu.dma_semaphore, #tpu.memory_space<semaphore_mem>>) src(%dma_wait3A_21 : memref<1000000xf32, #tpu.memory_space<hbm>>) dst(%dma_wait3A_17 : memref<12800xf32, #tpu.memory_space<vmem>>)
    %scan3A = arith.constant 0 : i32
    %scan3A_22 = arith.constant 100 : i32
    %scan3A_23 = arith.addi %scan3A, %scan3A_22 : i32
    %scan3A_24 = arith.constant 1 : i32
    %scan3A_25:8 = scf.for %scan3A_96 = %scan3A to %scan3A_23 step %scan3A_24 iter_args(%scan3A_97 = %broadcast_in_dim3A_16, %scan3A_98 = %broadcast_in_dim3A_16, %scan3A_99 = %broadcast_in_dim3A_16, %scan3A_100 = %broadcast_in_dim3A_16, %scan3A_101 = %broadcast_in_dim3A_16, %scan3A_102 = %broadcast_in_dim3A_16, %scan3A_103 = %broadcast_in_dim3A_16, %scan3A_104 = %broadcast_in_dim3A_16) -> (vector<16xf32>, vector<16xf32>, vector<16xf32>, vector<16xf32>, vector<16xf32>, vector<16xf32>, vector<16xf32>, vector<16xf32>)  : i32 {
      %mul3A_105 = arith.constant 128 : i32
      %mul3A_106 = arith.muli %scan3A_96, %mul3A_105 : i32
      %add3A_107 = arith.constant 0 : i32
      %add3A_108 = arith.addi %mul3A_106, %add3A_107 : i32
      %get3A = arith.index_cast %add3A_108 : i32 to index
      %get3A_109 = tpu.vector_load %arg6[%get3A] {strides = array<i32>} : memref<25600xf32, #tpu.memory_space<vmem>>, vector<16xf32>,
      %get3A_110 = vector.shape_cast %get3A_109 : vector<16xf32> to vector<16xf32>
      %add3A_111 = arith.addf %scan3A_97, %get3A_110 : vector<16xf32>
      %add3A_112 = arith.constant 16 : i32
      %add3A_113 = arith.addi %mul3A_106, %add3A_112 : i32
      %get3A_114 = arith.index_cast %add3A_113 : i32 to index
      %get3A_115 = tpu.vector_load %arg6[%get3A_114] {strides = array<i32>} : memref<25600xf32, #tpu.memory_space<vmem>>, vector<16xf32>,
      %get3A_116 = vector.shape_cast %get3A_115 : vector<16xf32> to vector<16xf32>
      %add3A_117 = arith.addf %scan3A_98, %get3A_116 : vector<16xf32>
      %add3A_118 = arith.constant 32 : i32
      %add3A_119 = arith.addi %mul3A_106, %add3A_118 : i32
      %get3A_120 = arith.index_cast %add3A_119 : i32 to index
      %get3A_121 = tpu.vector_load %arg6[%get3A_120] {strides = array<i32>} : memref<25600xf32, #tpu.memory_space<vmem>>, vector<16xf32>,
      %get3A_122 = vector.shape_cast %get3A_121 : vector<16xf32> to vector<16xf32>
      %add3A_123 = arith.addf %scan3A_99, %get3A_122 : vector<16xf32>
      %add3A_124 = arith.constant 48 : i32
      %add3A_125 = arith.addi %mul3A_106, %add3A_124 : i32
      %get3A_126 = arith.index_cast %add3A_125 : i32 to index
      %get3A_127 = tpu.vector_load %arg6[%get3A_126] {strides = array<i32>} : memref<25600xf32, #tpu.memory_space<vmem>>, vector<16xf32>,
      %get3A_128 = vector.shape_cast %get3A_127 : vector<16xf32> to vector<16xf32>
      %add3A_129 = arith.addf %scan3A_100, %get3A_128 : vector<16xf32>
      %add3A_130 = arith.constant 64 : i32
      %add3A_131 = arith.addi %mul3A_106, %add3A_130 : i32
      %get3A_132 = arith.index_cast %add3A_131 : i32 to index
      %get3A_133 = tpu.vector_load %arg6[%get3A_132] {strides = array<i32>} : memref<25600xf32, #tpu.memory_space<vmem>>, vector<16xf32>,
      %get3A_134 = vector.shape_cast %get3A_133 : vector<16xf32> to vector<16xf32>
      %add3A_135 = arith.addf %scan3A_101, %get3A_134 : vector<16xf32>
      %add3A_136 = arith.constant 80 : i32
      %add3A_137 = arith.addi %mul3A_106, %add3A_136 : i32
      %get3A_138 = arith.index_cast %add3A_137 : i32 to index
      %get3A_139 = tpu.vector_load %arg6[%get3A_138] {strides = array<i32>} : memref<25600xf32, #tpu.memory_space<vmem>>, vector<16xf32>,
      %get3A_140 = vector.shape_cast %get3A_139 : vector<16xf32> to vector<16xf32>
      %add3A_141 = arith.addf %scan3A_102, %get3A_140 : vector<16xf32>
      %add3A_142 = arith.constant 96 : i32
      %add3A_143 = arith.addi %mul3A_106, %add3A_142 : i32
      %get3A_144 = arith.index_cast %add3A_143 : i32 to index
      %get3A_145 = tpu.vector_load %arg6[%get3A_144] {strides = array<i32>} : memref<25600xf32, #tpu.memory_space<vmem>>, vector<16xf32>,
      %get3A_146 = vector.shape_cast %get3A_145 : vector<16xf32> to vector<16xf32>
      %add3A_147 = arith.addf %scan3A_103, %get3A_146 : vector<16xf32>
      %add3A_148 = arith.constant 112 : i32
      %add3A_149 = arith.addi %mul3A_106, %add3A_148 : i32
      %get3A_150 = arith.index_cast %add3A_149 : i32 to index
      %get3A_151 = tpu.vector_load %arg6[%get3A_150] {strides = array<i32>} : memref<25600xf32, #tpu.memory_space<vmem>>, vector<16xf32>,
      %get3A_152 = vector.shape_cast %get3A_151 : vector<16xf32> to vector<16xf32>
      %add3A_153 = arith.addf %scan3A_104, %get3A_152 : vector<16xf32>
      scf.yield %add3A_111, %add3A_117, %add3A_123, %add3A_129, %add3A_135, %add3A_141, %add3A_147, %add3A_153 : vector<16xf32>, vector<16xf32>, vector<16xf32>, vector<16xf32>, vector<16xf32>, vector<16xf32>, vector<16xf32>, vector<16xf32>
    }
    %scan3A_26 = arith.constant 100 : i32
    %dma_wait3A_27 = arith.constant 12800 : i32
    %dma_wait3A_28 = tpu.memref_slice %arg6[%dma_wait3A_27] : memref<25600xf32, #tpu.memory_space<vmem>> -> memref<12800xf32, #tpu.memory_space<vmem>>
    %dma_wait3A_29 = arith.constant 12800 : i32
    %dma_wait3A_30 = tpu.memref_slice %arg5[%dma_wait3A_29] : memref<25600xi32, #tpu.memory_space<vmem>> -> memref<12800xi32, #tpu.memory_space<vmem>>
    %dma_wait3A_31 = arith.constant 0 : i32
    %dma_wait3A_32 = tpu.memref_slice %arg2[%dma_wait3A_31] : memref<1000000xf32, #tpu.memory_space<hbm>> -> memref<1000000xf32, #tpu.memory_space<hbm>>
    tpu.wait_indirect_dma semaphore(%arg9 : memref<!tpu.dma_semaphore, #tpu.memory_space<semaphore_mem>>) src(%dma_wait3A_32 : memref<1000000xf32, #tpu.memory_space<hbm>>) dst(%dma_wait3A_28 : memref<12800xf32, #tpu.memory_space<vmem>>)
    %scan3A_33 = arith.constant 100 : i32
    %scan3A_34 = arith.constant 100 : i32
    %scan3A_35 = arith.addi %scan3A_33, %scan3A_34 : i32
    %scan3A_36 = arith.constant 1 : i32
    %scan3A_37:8 = scf.for %scan3A_96 = %scan3A_33 to %scan3A_35 step %scan3A_36 iter_args(%scan3A_97 = %scan3A_25#0, %scan3A_98 = %scan3A_25#1, %scan3A_99 = %scan3A_25#2, %scan3A_100 = %scan3A_25#3, %scan3A_101 = %scan3A_25#4, %scan3A_102 = %scan3A_25#5, %scan3A_103 = %scan3A_25#6, %scan3A_104 = %scan3A_25#7) -> (vector<16xf32>, vector<16xf32>, vector<16xf32>, vector<16xf32>, vector<16xf32>, vector<16xf32>, vector<16xf32>, vector<16xf32>)  : i32 {
      %mul3A_105 = arith.constant 128 : i32
      %mul3A_106 = arith.muli %scan3A_96, %mul3A_105 : i32
      %add3A_107 = arith.constant 0 : i32
      %add3A_108 = arith.addi %mul3A_106, %add3A_107 : i32
      %get3A = arith.index_cast %add3A_108 : i32 to index
      %get3A_109 = tpu.vector_load %arg6[%get3A] {strides = array<i32>} : memref<25600xf32, #tpu.memory_space<vmem>>, vector<16xf32>,
      %get3A_110 = vector.shape_cast %get3A_109 : vector<16xf32> to vector<16xf32>
      %add3A_111 = arith.addf %scan3A_97, %get3A_110 : vector<16xf32>
      %add3A_112 = arith.constant 16 : i32
      %add3A_113 = arith.addi %mul3A_106, %add3A_112 : i32
      %get3A_114 = arith.index_cast %add3A_113 : i32 to index
      %get3A_115 = tpu.vector_load %arg6[%get3A_114] {strides = array<i32>} : memref<25600xf32, #tpu.memory_space<vmem>>, vector<16xf32>,
      %get3A_116 = vector.shape_cast %get3A_115 : vector<16xf32> to vector<16xf32>
      %add3A_117 = arith.addf %scan3A_98, %get3A_116 : vector<16xf32>
      %add3A_118 = arith.constant 32 : i32
      %add3A_119 = arith.addi %mul3A_106, %add3A_118 : i32
      %get3A_120 = arith.index_cast %add3A_119 : i32 to index
      %get3A_121 = tpu.vector_load %arg6[%get3A_120] {strides = array<i32>} : memref<25600xf32, #tpu.memory_space<vmem>>, vector<16xf32>,
      %get3A_122 = vector.shape_cast %get3A_121 : vector<16xf32> to vector<16xf32>
      %add3A_123 = arith.addf %scan3A_99, %get3A_122 : vector<16xf32>
      %add3A_124 = arith.constant 48 : i32
      %add3A_125 = arith.addi %mul3A_106, %add3A_124 : i32
      %get3A_126 = arith.index_cast %add3A_125 : i32 to index
      %get3A_127 = tpu.vector_load %arg6[%get3A_126] {strides = array<i32>} : memref<25600xf32, #tpu.memory_space<vmem>>, vector<16xf32>,
      %get3A_128 = vector.shape_cast %get3A_127 : vector<16xf32> to vector<16xf32>
      %add3A_129 = arith.addf %scan3A_100, %get3A_128 : vector<16xf32>
      %add3A_130 = arith.constant 64 : i32
      %add3A_131 = arith.addi %mul3A_106, %add3A_130 : i32
      %get3A_132 = arith.index_cast %add3A_131 : i32 to index
      %get3A_133 = tpu.vector_load %arg6[%get3A_132] {strides = array<i32>} : memref<25600xf32, #tpu.memory_space<vmem>>, vector<16xf32>,
      %get3A_134 = vector.shape_cast %get3A_133 : vector<16xf32> to vector<16xf32>
      %add3A_135 = arith.addf %scan3A_101, %get3A_134 : vector<16xf32>
      %add3A_136 = arith.constant 80 : i32
      %add3A_137 = arith.addi %mul3A_106, %add3A_136 : i32
      %get3A_138 = arith.index_cast %add3A_137 : i32 to index
      %get3A_139 = tpu.vector_load %arg6[%get3A_138] {strides = array<i32>} : memref<25600xf32, #tpu.memory_space<vmem>>, vector<16xf32>,
      %get3A_140 = vector.shape_cast %get3A_139 : vector<16xf32> to vector<16xf32>
      %add3A_141 = arith.addf %scan3A_102, %get3A_140 : vector<16xf32>
      %add3A_142 = arith.constant 96 : i32
      %add3A_143 = arith.addi %mul3A_106, %add3A_142 : i32
      %get3A_144 = arith.index_cast %add3A_143 : i32 to index
      %get3A_145 = tpu.vector_load %arg6[%get3A_144] {strides = array<i32>} : memref<25600xf32, #tpu.memory_space<vmem>>, vector<16xf32>,
      %get3A_146 = vector.shape_cast %get3A_145 : vector<16xf32> to vector<16xf32>
      %add3A_147 = arith.addf %scan3A_103, %get3A_146 : vector<16xf32>
      %add3A_148 = arith.constant 112 : i32
      %add3A_149 = arith.addi %mul3A_106, %add3A_148 : i32
      %get3A_150 = arith.index_cast %add3A_149 : i32 to index
      %get3A_151 = tpu.vector_load %arg6[%get3A_150] {strides = array<i32>} : memref<25600xf32, #tpu.memory_space<vmem>>, vector<16xf32>,
      %get3A_152 = vector.shape_cast %get3A_151 : vector<16xf32> to vector<16xf32>
      %add3A_153 = arith.addf %scan3A_104, %get3A_152 : vector<16xf32>
      scf.yield %add3A_111, %add3A_117, %add3A_123, %add3A_129, %add3A_135, %add3A_141, %add3A_147, %add3A_153 : vector<16xf32>, vector<16xf32>, vector<16xf32>, vector<16xf32>, vector<16xf32>, vector<16xf32>, vector<16xf32>, vector<16xf32>
    }
    %scan3A_38 = arith.constant 100 : i32
    %mul3A_39 = arith.constant 5.000000e-03 : f32
    %mul3A_40 = vector.broadcast %mul3A_39 : f32 to vector<16xf32>
    %mul3A_41 = arith.mulf %scan3A_37#0, %mul3A_40 : vector<16xf32>
    %swap3A = arith.constant 0 : index
    %swap3A_42 = tpu.vector_load %arg7[%swap3A] {strides = array<i32>} : memref<128xf32, #tpu.memory_space<vmem>>, vector<16xf32>,
    %swap3A_43 = vector.shape_cast %swap3A_42 : vector<16xf32> to vector<16xf32>
    %swap3A_44 = vector.shape_cast %mul3A_41 : vector<16xf32> to vector<16xf32>
    tpu.vector_store %arg7[%swap3A], %swap3A_44 {strides = array<i32>} : memref<128xf32, #tpu.memory_space<vmem>>, vector<16xf32>,
    %mul3A_45 = arith.constant 5.000000e-03 : f32
    %mul3A_46 = vector.broadcast %mul3A_45 : f32 to vector<16xf32>
    %mul3A_47 = arith.mulf %scan3A_37#1, %mul3A_46 : vector<16xf32>
    %swap3A_48 = arith.constant 16 : index
    %swap3A_49 = tpu.vector_load %arg7[%swap3A_48] {strides = array<i32>} : memref<128xf32, #tpu.memory_space<vmem>>, vector<16xf32>,
    %swap3A_50 = vector.shape_cast %swap3A_49 : vector<16xf32> to vector<16xf32>
    %swap3A_51 = vector.shape_cast %mul3A_47 : vector<16xf32> to vector<16xf32>
    tpu.vector_store %arg7[%swap3A_48], %swap3A_51 {strides = array<i32>} : memref<128xf32, #tpu.memory_space<vmem>>, vector<16xf32>,
    %mul3A_52 = arith.constant 5.000000e-03 : f32
    %mul3A_53 = vector.broadcast %mul3A_52 : f32 to vector<16xf32>
    %mul3A_54 = arith.mulf %scan3A_37#2, %mul3A_53 : vector<16xf32>
    %swap3A_55 = arith.constant 32 : index
    %swap3A_56 = tpu.vector_load %arg7[%swap3A_55] {strides = array<i32>} : memref<128xf32, #tpu.memory_space<vmem>>, vector<16xf32>,
    %swap3A_57 = vector.shape_cast %swap3A_56 : vector<16xf32> to vector<16xf32>
    %swap3A_58 = vector.shape_cast %mul3A_54 : vector<16xf32> to vector<16xf32>
    tpu.vector_store %arg7[%swap3A_55], %swap3A_58 {strides = array<i32>} : memref<128xf32, #tpu.memory_space<vmem>>, vector<16xf32>,
    %mul3A_59 = arith.constant 5.000000e-03 : f32
    %mul3A_60 = vector.broadcast %mul3A_59 : f32 to vector<16xf32>
    %mul3A_61 = arith.mulf %scan3A_37#3, %mul3A_60 : vector<16xf32>
    %swap3A_62 = arith.constant 48 : index
    %swap3A_63 = tpu.vector_load %arg7[%swap3A_62] {strides = array<i32>} : memref<128xf32, #tpu.memory_space<vmem>>, vector<16xf32>,
    %swap3A_64 = vector.shape_cast %swap3A_63 : vector<16xf32> to vector<16xf32>
    %swap3A_65 = vector.shape_cast %mul3A_61 : vector<16xf32> to vector<16xf32>
    tpu.vector_store %arg7[%swap3A_62], %swap3A_65 {strides = array<i32>} : memref<128xf32, #tpu.memory_space<vmem>>, vector<16xf32>,
    %mul3A_66 = arith.constant 5.000000e-03 : f32
    %mul3A_67 = vector.broadcast %mul3A_66 : f32 to vector<16xf32>
    %mul3A_68 = arith.mulf %scan3A_37#4, %mul3A_67 : vector<16xf32>
    %swap3A_69 = arith.constant 64 : index
    %swap3A_70 = tpu.vector_load %arg7[%swap3A_69] {strides = array<i32>} : memref<128xf32, #tpu.memory_space<vmem>>, vector<16xf32>,
    %swap3A_71 = vector.shape_cast %swap3A_70 : vector<16xf32> to vector<16xf32>
    %swap3A_72 = vector.shape_cast %mul3A_68 : vector<16xf32> to vector<16xf32>
    tpu.vector_store %arg7[%swap3A_69], %swap3A_72 {strides = array<i32>} : memref<128xf32, #tpu.memory_space<vmem>>, vector<16xf32>,
    %mul3A_73 = arith.constant 5.000000e-03 : f32
    %mul3A_74 = vector.broadcast %mul3A_73 : f32 to vector<16xf32>
    %mul3A_75 = arith.mulf %scan3A_37#5, %mul3A_74 : vector<16xf32>
    %swap3A_76 = arith.constant 80 : index
    %swap3A_77 = tpu.vector_load %arg7[%swap3A_76] {strides = array<i32>} : memref<128xf32, #tpu.memory_space<vmem>>, vector<16xf32>,
    %swap3A_78 = vector.shape_cast %swap3A_77 : vector<16xf32> to vector<16xf32>
    %swap3A_79 = vector.shape_cast %mul3A_75 : vector<16xf32> to vector<16xf32>
    tpu.vector_store %arg7[%swap3A_76], %swap3A_79 {strides = array<i32>} : memref<128xf32, #tpu.memory_space<vmem>>, vector<16xf32>,
    %mul3A_80 = arith.constant 5.000000e-03 : f32
    %mul3A_81 = vector.broadcast %mul3A_80 : f32 to vector<16xf32>
    %mul3A_82 = arith.mulf %scan3A_37#6, %mul3A_81 : vector<16xf32>
    %swap3A_83 = arith.constant 96 : index
    %swap3A_84 = tpu.vector_load %arg7[%swap3A_83] {strides = array<i32>} : memref<128xf32, #tpu.memory_space<vmem>>, vector<16xf32>,
    %swap3A_85 = vector.shape_cast %swap3A_84 : vector<16xf32> to vector<16xf32>
    %swap3A_86 = vector.shape_cast %mul3A_82 : vector<16xf32> to vector<16xf32>
    tpu.vector_store %arg7[%swap3A_83], %swap3A_86 {strides = array<i32>} : memref<128xf32, #tpu.memory_space<vmem>>, vector<16xf32>,
    %mul3A_87 = arith.constant 5.000000e-03 : f32
    %mul3A_88 = vector.broadcast %mul3A_87 : f32 to vector<16xf32>
    %mul3A_89 = arith.mulf %scan3A_37#7, %mul3A_88 : vector<16xf32>
    %swap3A_90 = arith.constant 112 : index
    %swap3A_91 = tpu.vector_load %arg7[%swap3A_90] {strides = array<i32>} : memref<128xf32, #tpu.memory_space<vmem>>, vector<16xf32>,
    %swap3A_92 = vector.shape_cast %swap3A_91 : vector<16xf32> to vector<16xf32>
    %swap3A_93 = vector.shape_cast %mul3A_89 : vector<16xf32> to vector<16xf32>
    tpu.vector_store %arg7[%swap3A_90], %swap3A_93 {strides = array<i32>} : memref<128xf32, #tpu.memory_space<vmem>>, vector<16xf32>,
    %mul3A_94 = arith.constant 128 : i32
    %mul3A_95 = arith.muli %add3A, %mul3A_94 : i32
    "tpu.region"() ({
      %run_scoped3A = tpu.sem_alloc : memref<!tpu.dma_semaphore, #tpu.memory_space<semaphore_mem>>
      %dma_start3A_96 = tpu.memref_slice %arg4[%mul3A_95] : memref<4096xf32, #tpu.memory_space<hbm>> -> memref<128xf32, #tpu.memory_space<hbm>>
      %dma_start3A_97 = tpu.memref_slice %arg4[%mul3A_95] : memref<4096xf32, #tpu.memory_space<hbm>> -> memref<128xf32, #tpu.memory_space<hbm>>
      tpu.enqueue_dma source(%arg7 : memref<128xf32, #tpu.memory_space<vmem>>) target(%dma_start3A_97 : memref<128xf32, #tpu.memory_space<hbm>>) target_semaphore(%run_scoped3A : memref<!tpu.dma_semaphore, #tpu.memory_space<semaphore_mem>>)
      %dma_wait3A_98 = tpu.memref_slice %arg4[%mul3A_95] : memref<4096xf32, #tpu.memory_space<hbm>> -> memref<128xf32, #tpu.memory_space<hbm>>
      %dma_wait3A_99 = tpu.memref_slice %arg4[%mul3A_95] : memref<4096xf32, #tpu.memory_space<hbm>> -> memref<128xf32, #tpu.memory_space<hbm>>
      tpu.wait_dma2 semaphore(%run_scoped3A : memref<!tpu.dma_semaphore, #tpu.memory_space<semaphore_mem>>) src(%arg7 : memref<128xf32, #tpu.memory_space<vmem>>) dst(%dma_wait3A_99 : memref<128xf32, #tpu.memory_space<hbm>>)
      tpu.yield
    }) : () -> ()
    return
  }
}

module attributes {stable_mosaic.version = 14 : i64} {
  func.func @_scores_body(%arg0: i32, %arg1: memref<20000x64xf32, #tpu.memory_space<vmem>>, %arg2: memref<1x64xf32, #tpu.memory_space<vmem>>, %arg3: memref<1x1xf32, #tpu.memory_space<vmem>>, %arg4: memref<1x8x2500xf32, #tpu.memory_space<vmem>>) attributes {dimension_semantics = [#tpu.dimension_semantics<arbitrary>], iteration_bounds = array<i64: 50>, scalar_prefetch = 0 : i64, scratch_operands = 0 : i64, tpu.core_type = #tpu.core_type<tc>, window_params = [{transform_indices = @transform_0, window_bounds = array<i64: 20000, 64>}, {pipeline_mode = #tpu.pipeline_mode<synchronous>, transform_indices = @transform_1, window_bounds = array<i64: 1, 64>}, {pipeline_mode = #tpu.pipeline_mode<synchronous>, transform_indices = @transform_2, window_bounds = array<i64: 1, 1>}, {transform_indices = @transform_3, window_bounds = array<i64: 1, 8, 2500>}]} {
    %get3A = arith.constant 0 : index
    %get3A_0 = arith.constant 0 : index
    %get3A_1 = vector.load %arg3[%get3A, %get3A_0] : memref<1x1xf32, #tpu.memory_space<vmem>>, vector<1x1xf32>
    %get3A_2 = vector.extract %get3A_1[0, 0] : f32 from vector<1x1xf32>
    %get3A_3 = arith.constant 0 : index
    %get3A_4 = arith.constant 0 : index
    %get3A_5 = vector.load %arg2[%get3A_3, %get3A_4] : memref<1x64xf32, #tpu.memory_space<vmem>>, vector<1x64xf32>
    %get3A_6 = arith.constant 0 : index
    %get3A_7 = arith.constant 0 : index
    %get3A_8 = vector.load %arg1[%get3A_6, %get3A_7] : memref<20000x64xf32, #tpu.memory_space<vmem>>, vector<2500x64xf32>
    %dot_general3A = arith.constant dense<0.000000e+00> : vector<1x2500xf32>
    %dot_general3A_9 = tpu.matmul %get3A_5, %get3A_8, %dot_general3A {dimension_numbers = #tpu.dot_dimension_numbers<[1], [1], [0], [0], [0, 0, 1, 0], [], []>, transpose_lhs_hint = false} : vector<1x64xf32>, vector<2500x64xf32>, vector<1x2500xf32> -> vector<1x2500xf32>
    %add3A = vector.broadcast %get3A_2 : f32 to vector<1x2500xf32>
    %add3A_10 = arith.addf %dot_general3A_9, %add3A : vector<1x2500xf32>
    %squeeze3A = vector.shape_cast %add3A_10 : vector<1x2500xf32> to vector<2500xf32>
    %swap3A = arith.constant 0 : index
    %swap3A_11 = arith.constant 0 : index
    %swap3A_12 = arith.constant 0 : index
    %swap3A_13 = vector.load %arg4[%swap3A, %swap3A_11, %swap3A_12] : memref<1x8x2500xf32, #tpu.memory_space<vmem>>, vector<1x1x2500xf32>
    %swap3A_14 = vector.shape_cast %swap3A_13 : vector<1x1x2500xf32> to vector<2500xf32>
    %swap3A_15 = vector.shape_cast %squeeze3A : vector<2500xf32> to vector<1x1x2500xf32>
    tpu.vector_store %arg4[%swap3A, %swap3A_11, %swap3A_12], %swap3A_15 {strides = array<i32>} : memref<1x8x2500xf32, #tpu.memory_space<vmem>>, vector<1x1x2500xf32>,
    %get3A_16 = arith.constant 0 : index
    %get3A_17 = arith.constant 0 : index
    %get3A_18 = vector.load %arg2[%get3A_16, %get3A_17] : memref<1x64xf32, #tpu.memory_space<vmem>>, vector<1x64xf32>
    %get3A_19 = arith.constant 2500 : index
    %get3A_20 = arith.constant 0 : index
    %get3A_21 = vector.load %arg1[%get3A_19, %get3A_20] : memref<20000x64xf32, #tpu.memory_space<vmem>>, vector<2500x64xf32>
    %dot_general3A_22 = arith.constant dense<0.000000e+00> : vector<1x2500xf32>
    %dot_general3A_23 = tpu.matmul %get3A_18, %get3A_21, %dot_general3A_22 {dimension_numbers = #tpu.dot_dimension_numbers<[1], [1], [0], [0], [0, 0, 1, 0], [], []>, transpose_lhs_hint = false} : vector<1x64xf32>, vector<2500x64xf32>, vector<1x2500xf32> -> vector<1x2500xf32>
    %add3A_24 = vector.broadcast %get3A_2 : f32 to vector<1x2500xf32>
    %add3A_25 = arith.addf %dot_general3A_23, %add3A_24 : vector<1x2500xf32>
    %squeeze3A_26 = vector.shape_cast %add3A_25 : vector<1x2500xf32> to vector<2500xf32>
    %swap3A_27 = arith.constant 0 : index
    %swap3A_28 = arith.constant 1 : index
    %swap3A_29 = arith.constant 0 : index
    %swap3A_30 = vector.load %arg4[%swap3A_27, %swap3A_28, %swap3A_29] : memref<1x8x2500xf32, #tpu.memory_space<vmem>>, vector<1x1x2500xf32>
    %swap3A_31 = vector.shape_cast %swap3A_30 : vector<1x1x2500xf32> to vector<2500xf32>
    %swap3A_32 = vector.shape_cast %squeeze3A_26 : vector<2500xf32> to vector<1x1x2500xf32>
    tpu.vector_store %arg4[%swap3A_27, %swap3A_28, %swap3A_29], %swap3A_32 {strides = array<i32>} : memref<1x8x2500xf32, #tpu.memory_space<vmem>>, vector<1x1x2500xf32>,
    %get3A_33 = arith.constant 0 : index
    %get3A_34 = arith.constant 0 : index
    %get3A_35 = vector.load %arg2[%get3A_33, %get3A_34] : memref<1x64xf32, #tpu.memory_space<vmem>>, vector<1x64xf32>
    %get3A_36 = arith.constant 5000 : index
    %get3A_37 = arith.constant 0 : index
    %get3A_38 = vector.load %arg1[%get3A_36, %get3A_37] : memref<20000x64xf32, #tpu.memory_space<vmem>>, vector<2500x64xf32>
    %dot_general3A_39 = arith.constant dense<0.000000e+00> : vector<1x2500xf32>
    %dot_general3A_40 = tpu.matmul %get3A_35, %get3A_38, %dot_general3A_39 {dimension_numbers = #tpu.dot_dimension_numbers<[1], [1], [0], [0], [0, 0, 1, 0], [], []>, transpose_lhs_hint = false} : vector<1x64xf32>, vector<2500x64xf32>, vector<1x2500xf32> -> vector<1x2500xf32>
    %add3A_41 = vector.broadcast %get3A_2 : f32 to vector<1x2500xf32>
    %add3A_42 = arith.addf %dot_general3A_40, %add3A_41 : vector<1x2500xf32>
    %squeeze3A_43 = vector.shape_cast %add3A_42 : vector<1x2500xf32> to vector<2500xf32>
    %swap3A_44 = arith.constant 0 : index
    %swap3A_45 = arith.constant 2 : index
    %swap3A_46 = arith.constant 0 : index
    %swap3A_47 = vector.load %arg4[%swap3A_44, %swap3A_45, %swap3A_46] : memref<1x8x2500xf32, #tpu.memory_space<vmem>>, vector<1x1x2500xf32>
    %swap3A_48 = vector.shape_cast %swap3A_47 : vector<1x1x2500xf32> to vector<2500xf32>
    %swap3A_49 = vector.shape_cast %squeeze3A_43 : vector<2500xf32> to vector<1x1x2500xf32>
    tpu.vector_store %arg4[%swap3A_44, %swap3A_45, %swap3A_46], %swap3A_49 {strides = array<i32>} : memref<1x8x2500xf32, #tpu.memory_space<vmem>>, vector<1x1x2500xf32>,
    %get3A_50 = arith.constant 0 : index
    %get3A_51 = arith.constant 0 : index
    %get3A_52 = vector.load %arg2[%get3A_50, %get3A_51] : memref<1x64xf32, #tpu.memory_space<vmem>>, vector<1x64xf32>
    %get3A_53 = arith.constant 7500 : index
    %get3A_54 = arith.constant 0 : index
    %get3A_55 = vector.load %arg1[%get3A_53, %get3A_54] : memref<20000x64xf32, #tpu.memory_space<vmem>>, vector<2500x64xf32>
    %dot_general3A_56 = arith.constant dense<0.000000e+00> : vector<1x2500xf32>
    %dot_general3A_57 = tpu.matmul %get3A_52, %get3A_55, %dot_general3A_56 {dimension_numbers = #tpu.dot_dimension_numbers<[1], [1], [0], [0], [0, 0, 1, 0], [], []>, transpose_lhs_hint = false} : vector<1x64xf32>, vector<2500x64xf32>, vector<1x2500xf32> -> vector<1x2500xf32>
    %add3A_58 = vector.broadcast %get3A_2 : f32 to vector<1x2500xf32>
    %add3A_59 = arith.addf %dot_general3A_57, %add3A_58 : vector<1x2500xf32>
    %squeeze3A_60 = vector.shape_cast %add3A_59 : vector<1x2500xf32> to vector<2500xf32>
    %swap3A_61 = arith.constant 0 : index
    %swap3A_62 = arith.constant 3 : index
    %swap3A_63 = arith.constant 0 : index
    %swap3A_64 = vector.load %arg4[%swap3A_61, %swap3A_62, %swap3A_63] : memref<1x8x2500xf32, #tpu.memory_space<vmem>>, vector<1x1x2500xf32>
    %swap3A_65 = vector.shape_cast %swap3A_64 : vector<1x1x2500xf32> to vector<2500xf32>
    %swap3A_66 = vector.shape_cast %squeeze3A_60 : vector<2500xf32> to vector<1x1x2500xf32>
    tpu.vector_store %arg4[%swap3A_61, %swap3A_62, %swap3A_63], %swap3A_66 {strides = array<i32>} : memref<1x8x2500xf32, #tpu.memory_space<vmem>>, vector<1x1x2500xf32>,
    %get3A_67 = arith.constant 0 : index
    %get3A_68 = arith.constant 0 : index
    %get3A_69 = vector.load %arg2[%get3A_67, %get3A_68] : memref<1x64xf32, #tpu.memory_space<vmem>>, vector<1x64xf32>
    %get3A_70 = arith.constant 10000 : index
    %get3A_71 = arith.constant 0 : index
    %get3A_72 = vector.load %arg1[%get3A_70, %get3A_71] : memref<20000x64xf32, #tpu.memory_space<vmem>>, vector<2500x64xf32>
    %dot_general3A_73 = arith.constant dense<0.000000e+00> : vector<1x2500xf32>
    %dot_general3A_74 = tpu.matmul %get3A_69, %get3A_72, %dot_general3A_73 {dimension_numbers = #tpu.dot_dimension_numbers<[1], [1], [0], [0], [0, 0, 1, 0], [], []>, transpose_lhs_hint = false} : vector<1x64xf32>, vector<2500x64xf32>, vector<1x2500xf32> -> vector<1x2500xf32>
    %add3A_75 = vector.broadcast %get3A_2 : f32 to vector<1x2500xf32>
    %add3A_76 = arith.addf %dot_general3A_74, %add3A_75 : vector<1x2500xf32>
    %squeeze3A_77 = vector.shape_cast %add3A_76 : vector<1x2500xf32> to vector<2500xf32>
    %swap3A_78 = arith.constant 0 : index
    %swap3A_79 = arith.constant 4 : index
    %swap3A_80 = arith.constant 0 : index
    %swap3A_81 = vector.load %arg4[%swap3A_78, %swap3A_79, %swap3A_80] : memref<1x8x2500xf32, #tpu.memory_space<vmem>>, vector<1x1x2500xf32>
    %swap3A_82 = vector.shape_cast %swap3A_81 : vector<1x1x2500xf32> to vector<2500xf32>
    %swap3A_83 = vector.shape_cast %squeeze3A_77 : vector<2500xf32> to vector<1x1x2500xf32>
    tpu.vector_store %arg4[%swap3A_78, %swap3A_79, %swap3A_80], %swap3A_83 {strides = array<i32>} : memref<1x8x2500xf32, #tpu.memory_space<vmem>>, vector<1x1x2500xf32>,
    %get3A_84 = arith.constant 0 : index
    %get3A_85 = arith.constant 0 : index
    %get3A_86 = vector.load %arg2[%get3A_84, %get3A_85] : memref<1x64xf32, #tpu.memory_space<vmem>>, vector<1x64xf32>
    %get3A_87 = arith.constant 12500 : index
    %get3A_88 = arith.constant 0 : index
    %get3A_89 = vector.load %arg1[%get3A_87, %get3A_88] : memref<20000x64xf32, #tpu.memory_space<vmem>>, vector<2500x64xf32>
    %dot_general3A_90 = arith.constant dense<0.000000e+00> : vector<1x2500xf32>
    %dot_general3A_91 = tpu.matmul %get3A_86, %get3A_89, %dot_general3A_90 {dimension_numbers = #tpu.dot_dimension_numbers<[1], [1], [0], [0], [0, 0, 1, 0], [], []>, transpose_lhs_hint = false} : vector<1x64xf32>, vector<2500x64xf32>, vector<1x2500xf32> -> vector<1x2500xf32>
    %add3A_92 = vector.broadcast %get3A_2 : f32 to vector<1x2500xf32>
    %add3A_93 = arith.addf %dot_general3A_91, %add3A_92 : vector<1x2500xf32>
    %squeeze3A_94 = vector.shape_cast %add3A_93 : vector<1x2500xf32> to vector<2500xf32>
    %swap3A_95 = arith.constant 0 : index
    %swap3A_96 = arith.constant 5 : index
    %swap3A_97 = arith.constant 0 : index
    %swap3A_98 = vector.load %arg4[%swap3A_95, %swap3A_96, %swap3A_97] : memref<1x8x2500xf32, #tpu.memory_space<vmem>>, vector<1x1x2500xf32>
    %swap3A_99 = vector.shape_cast %swap3A_98 : vector<1x1x2500xf32> to vector<2500xf32>
    %swap3A_100 = vector.shape_cast %squeeze3A_94 : vector<2500xf32> to vector<1x1x2500xf32>
    tpu.vector_store %arg4[%swap3A_95, %swap3A_96, %swap3A_97], %swap3A_100 {strides = array<i32>} : memref<1x8x2500xf32, #tpu.memory_space<vmem>>, vector<1x1x2500xf32>,
    %get3A_101 = arith.constant 0 : index
    %get3A_102 = arith.constant 0 : index
    %get3A_103 = vector.load %arg2[%get3A_101, %get3A_102] : memref<1x64xf32, #tpu.memory_space<vmem>>, vector<1x64xf32>
    %get3A_104 = arith.constant 15000 : index
    %get3A_105 = arith.constant 0 : index
    %get3A_106 = vector.load %arg1[%get3A_104, %get3A_105] : memref<20000x64xf32, #tpu.memory_space<vmem>>, vector<2500x64xf32>
    %dot_general3A_107 = arith.constant dense<0.000000e+00> : vector<1x2500xf32>
    %dot_general3A_108 = tpu.matmul %get3A_103, %get3A_106, %dot_general3A_107 {dimension_numbers = #tpu.dot_dimension_numbers<[1], [1], [0], [0], [0, 0, 1, 0], [], []>, transpose_lhs_hint = false} : vector<1x64xf32>, vector<2500x64xf32>, vector<1x2500xf32> -> vector<1x2500xf32>
    %add3A_109 = vector.broadcast %get3A_2 : f32 to vector<1x2500xf32>
    %add3A_110 = arith.addf %dot_general3A_108, %add3A_109 : vector<1x2500xf32>
    %squeeze3A_111 = vector.shape_cast %add3A_110 : vector<1x2500xf32> to vector<2500xf32>
    %swap3A_112 = arith.constant 0 : index
    %swap3A_113 = arith.constant 6 : index
    %swap3A_114 = arith.constant 0 : index
    %swap3A_115 = vector.load %arg4[%swap3A_112, %swap3A_113, %swap3A_114] : memref<1x8x2500xf32, #tpu.memory_space<vmem>>, vector<1x1x2500xf32>
    %swap3A_116 = vector.shape_cast %swap3A_115 : vector<1x1x2500xf32> to vector<2500xf32>
    %swap3A_117 = vector.shape_cast %squeeze3A_111 : vector<2500xf32> to vector<1x1x2500xf32>
    tpu.vector_store %arg4[%swap3A_112, %swap3A_113, %swap3A_114], %swap3A_117 {strides = array<i32>} : memref<1x8x2500xf32, #tpu.memory_space<vmem>>, vector<1x1x2500xf32>,
    %get3A_118 = arith.constant 0 : index
    %get3A_119 = arith.constant 0 : index
    %get3A_120 = vector.load %arg2[%get3A_118, %get3A_119] : memref<1x64xf32, #tpu.memory_space<vmem>>, vector<1x64xf32>
    %get3A_121 = arith.constant 17500 : index
    %get3A_122 = arith.constant 0 : index
    %get3A_123 = vector.load %arg1[%get3A_121, %get3A_122] : memref<20000x64xf32, #tpu.memory_space<vmem>>, vector<2500x64xf32>
    %dot_general3A_124 = arith.constant dense<0.000000e+00> : vector<1x2500xf32>
    %dot_general3A_125 = tpu.matmul %get3A_120, %get3A_123, %dot_general3A_124 {dimension_numbers = #tpu.dot_dimension_numbers<[1], [1], [0], [0], [0, 0, 1, 0], [], []>, transpose_lhs_hint = false} : vector<1x64xf32>, vector<2500x64xf32>, vector<1x2500xf32> -> vector<1x2500xf32>
    %add3A_126 = vector.broadcast %get3A_2 : f32 to vector<1x2500xf32>
    %add3A_127 = arith.addf %dot_general3A_125, %add3A_126 : vector<1x2500xf32>
    %squeeze3A_128 = vector.shape_cast %add3A_127 : vector<1x2500xf32> to vector<2500xf32>
    %swap3A_129 = arith.constant 0 : index
    %swap3A_130 = arith.constant 7 : index
    %swap3A_131 = arith.constant 0 : index
    %swap3A_132 = vector.load %arg4[%swap3A_129, %swap3A_130, %swap3A_131] : memref<1x8x2500xf32, #tpu.memory_space<vmem>>, vector<1x1x2500xf32>
    %swap3A_133 = vector.shape_cast %swap3A_132 : vector<1x1x2500xf32> to vector<2500xf32>
    %swap3A_134 = vector.shape_cast %squeeze3A_128 : vector<2500xf32> to vector<1x1x2500xf32>
    tpu.vector_store %arg4[%swap3A_129, %swap3A_130, %swap3A_131], %swap3A_134 {strides = array<i32>} : memref<1x8x2500xf32, #tpu.memory_space<vmem>>, vector<1x1x2500xf32>,
    return
  }
  func.func @transform_0(%arg0: i32) -> (i32, i32) {
    %c0_i32 = arith.constant 0 : i32
    %c0_i32_0 = arith.constant 0 : i32
    return %arg0, %c0_i32 : i32, i32
  }
  func.func @transform_1(%arg0: i32) -> (i32, i32) {
    %c0_i32 = arith.constant 0 : i32
    %c0_i32_0 = arith.constant 0 : i32
    %c0_i32_1 = arith.constant 0 : i32
    return %c0_i32, %c0_i32_0 : i32, i32
  }
  func.func @transform_2(%arg0: i32) -> (i32, i32) {
    %c0_i32 = arith.constant 0 : i32
    %c0_i32_0 = arith.constant 0 : i32
    %c0_i32_1 = arith.constant 0 : i32
    return %c0_i32, %c0_i32_0 : i32, i32
  }
  func.func @transform_3(%arg0: i32) -> (i32, i32, i32) {
    %c0_i32 = arith.constant 0 : i32
    %c0_i32_0 = arith.constant 0 : i32
    %c0_i32_1 = arith.constant 0 : i32
    return %arg0, %c0_i32, %c0_i32_0 : i32, i32, i32
  }
}

</mosaic_0001>

<sc_bundles>
// kernel: kernel.4.cloned.1.call-start
scs
__scs_entry_jumppad:
0x0: {  	(pc) =	sbr.rel $0x88, $3  }
0x1: {  	(tag) =	ssettag $0x0;
	lr =	simm.s32 $0x1  }
0x2: {  	[smem:$0x3F9D] =	sst lr;
	_ =	strace $0xD0000000  }
0x3: {  	_ = 	snop  }
0x4: {  	_ = 	snop  }
0x5: {  	_ = 	snop  }
0x6: {  	_ = 	snop  }
0x7: {  	_ = 	snop  }
__scs_overlays_trampoline_lowered:
0x8: {  	[smem:$0x3FAC] =	sst s0  }
0x9: {  	[smem:$0x3FAD] =	sst s1  }
0xa: {  	[smem:$0x3FAE] =	sst s2  }
0xb: {  	[smem:$0x3FAF] =	sst s3  }
0xc: {  	[smem:$0x3FB0] =	sst s4  }
0xd: {  	[smem:$0x3FB1] =	sst s5  }
0xe: {  	[smem:$0x3FB2] =	sst s6  }
0xf: {  	[smem:$0x3FB3] =	sst s7  }
0x10: {  	[smem:$0x3FB4] =	sst s8  }
0x11: {  	[smem:$0x3FB5] =	sst s9;
	s0 =	simm.s32 @!p0 $0x0  }
0x12: {  	s1 =	sld [smem:$0x3F9B];
	s0 =	simm.s32 @p0 $0x1  }
0x13: {  	[smem:$0x3FB6] =	sst s0;
	s0 =	simm.s32 @!p1 $0x0  }
0x14: {  	s2 =	sld [smem:$0x3F9A];
	s0 =	simm.s32 @p1 $0x1  }
0x15: {  	[smem:$0x3FB7] =	sst s0;
	s0 =	simm.s32 @!p2 $0x0  }
0x16: {  	s3 =	sld [smem:$0x3FDB];
	s0 =	simm.s32 @p2 $0x1  }
0x17: {  	s4 =	simm.s32 $0x1BF5;
	[smem:$0x3FB9] =	sst s0  }
0x18: {  	s0 =	sld [smem:$0x3F9C];
	_ =	swait.ge [sflag:s4], $0x0  }
0x19: {  	s7 =	sld [smem:$0x3F9D]  }
0x1a: {  	s8 =	sadd.s32 $0xFFFFE003, lr  }
0x1b: {  	s9 =	sadd.s32 $0xFFFFFEF7, lr;
	s5 =	simm.s32 $0xFFFFFFFF;
	p2 =	slt.u32 s8, $0xFFFFF086  }
0x1c: {  	p1 =	slt.u32 s9, $0xF7A;
	s5 =	simm.s32 @!p2 $0x0  }
0x1d: {  	s5 =	simm.s32 @p1 $0x1;
	p0 =	seq.s32 s7, s2  }
0x1e: {  	s7 =	smul.u32 @!p0 $0xF7A, s2;
	p2 =	seq.s32 @!p0 s5, $0x0  }
0x1f: {  	s9 =	smul.u32 $0xF7A, s1;
	s8 =	simm.s32 @!p0 $0x1BF5;
	p2 =	por !p2, p0  }
0x20: {  	[sflag:s8] =	ssyncset.s32 @!p0 $0xFFFFF086;
	s6 =	sadd.s32 @!p0 s3, s7;
	s7 =	simm.s32 @!p0 $0x108  }
0x21: {  	s3 =	sadd.s32 s3, s9;
	s6 =	sadd.s32 @!p0 $0x88, s6;
	s7 =	simm.s32 @p2 $0x1082  }
0x22: {  	[simem:s7], [sflag:s8] =	dma.local @!p0 [hbm:s6], $0xF7A  }
0x23: {  	s9 =	sor.u32 $0xD0000000, s2;
	s6 =	simm.s32 $0x108;
	_ =	swait.ge @!p0 [sflag:s8], $0x0  }
0x24: {  	s3 =	sadd.s32 $0x88, s3;
	s6 =	simm.s32 @!p1 $0x1082;
	[sflag:s4] =	ssyncset.s32 $0xFFFFF086  }
0x25: {  	[simem:s6], [sflag:s4] =	dma.local [hbm:s3], $0xF7A  }
0x26: {  	[smem:$0x3F9D] =	sst s1;
	(tag) =	ssettag s2;
	_ =	strace s9  }
0x27: {  	s1 =	sld [smem:$0x3FAD]  }
0x28: {  	s2 =	sld [smem:$0x3FAE]  }
0x29: {  	s4 =	sld [smem:$0x3FB0]  }
0x2a: {  	p0 =	seq.s32 s5, $0x0;
	s5 =	sld [smem:$0x3FB1]  }
0x2b: {  	s6 =	sld [smem:$0x3FB2]  }
0x2c: {  	s7 =	sld [smem:$0x3FB3]  }
0x2d: {  	s3 =	simm.s32 $0x108;
	s8 =	sld [smem:$0x3FB4]  }
0x2e: {  	s3 =	simm.s32 @!p0 $0x1082;
	s9 =	sld [smem:$0x3FB5]  }
0x2f: {  	lr =	sadd.s32 s0, s3;
	s0 =	sld [smem:$0x3FAC]  }
0x30: {  	s3 =	sld [smem:$0x3FAF]  }
0x31: {  	[smem:$0x3FB8] =	sst s10  }
0x32: {  	s10 =	sld [smem:$0x3FB6];
	_ =	sdelay $0x3  }
0x33: {  	p0 =	seq.s32 s10, $0x1;
	s10 =	sld [smem:$0x3FB8];
	_ =	sdelay $0x3  }
0x34: {  	[smem:$0x3FB8] =	sst s10  }
0x35: {  	s10 =	sld [smem:$0x3FB7];
	_ =	sdelay $0x3  }
0x36: {  	p1 =	seq.s32 s10, $0x1;
	s10 =	sld [smem:$0x3FB8];
	_ =	sdelay $0x3  }
0x37: {  	[smem:$0x3FB8] =	sst s10  }
0x38: {  	s10 =	sld [smem:$0x3FB9]  }
0x39: {  	_ = 	snop;
	(pc) =	sbr.ind lr, $3  }
0x3a: {  	_ = 	snop  }
0x3b: {  	_ = 	snop  }
0x3c: {  	p2 =	seq.s32 s10, $0x1;
	s10 =	sld [smem:$0x3FB8]  }
0x3d: {  	_ =	shalt  }
0x3e: {  	_ =	shalt  }
0x3f: {  	_ =	shalt  }
0x40: {  	_ =	shalt  }
0x41: {  	_ =	shalt  }
0x42: {  	_ =	shalt  }
0x43: {  	_ =	shalt  }
0x44: {  	_ =	shalt  }
0x45: {  	_ =	shalt  }
0x46: {  	_ =	shalt  }
0x47: {  	_ =	shalt  }
0x48: {  	_ =	shalt  }
0x49: {  	_ =	shalt  }
0x4a: {  	_ =	shalt  }
0x4b: {  	_ =	shalt  }
0x4c: {  	_ =	shalt  }
0x4d: {  	_ =	shalt  }
0x4e: {  	_ =	shalt  }
0x4f: {  	_ =	shalt  }
0x50: {  	_ =	shalt  }
0x51: {  	_ =	shalt  }
0x52: {  	_ =	shalt  }
0x53: {  	_ =	shalt  }
0x54: {  	_ =	shalt  }
0x55: {  	_ =	shalt  }
0x56: {  	_ =	shalt  }
0x57: {  	_ =	shalt  }
0x58: {  	_ =	shalt  }
0x59: {  	_ =	shalt  }
0x5a: {  	_ =	shalt  }
0x5b: {  	_ =	shalt  }
0x5c: {  	_ =	shalt  }
0x5d: {  	_ =	shalt  }
0x5e: {  	_ =	shalt  }
0x5f: {  	_ =	shalt  }
0x60: {  	_ =	shalt  }
0x61: {  	_ =	shalt  }
0x62: {  	_ =	shalt  }
0x63: {  	_ =	shalt  }
0x64: {  	_ =	shalt  }
0x65: {  	_ =	shalt  }
0x66: {  	_ =	shalt  }
0x67: {  	_ =	shalt  }
0x68: {  	_ =	shalt  }
0x69: {  	_ =	shalt  }
0x6a: {  	_ =	shalt  }
0x6b: {  	_ =	shalt  }
0x6c: {  	_ =	shalt  }
0x6d: {  	_ =	shalt  }
0x6e: {  	_ =	shalt  }
0x6f: {  	_ =	shalt  }
0x70: {  	_ =	shalt  }
0x71: {  	_ =	shalt  }
0x72: {  	_ =	shalt  }
0x73: {  	_ =	shalt  }
0x74: {  	_ =	shalt  }
0x75: {  	_ =	shalt  }
0x76: {  	_ =	shalt  }
0x77: {  	_ =	shalt  }
0x78: {  	_ =	shalt  }
0x79: {  	_ =	shalt  }
0x7a: {  	_ =	shalt  }
0x7b: {  	_ =	shalt  }
0x7c: {  	_ =	shalt  }
0x7d: {  	_ =	shalt  }
0x7e: {  	_ =	shalt  }
0x7f: {  	_ =	shalt  }
0x80: {  	_ =	shalt  }
0x81: {  	_ =	shalt  }
0x82: {  	_ =	shalt  }
0x83: {  	_ =	shalt  }
0x84: {  	_ =	shalt  }
0x85: {  	_ =	shalt  }
0x86: {  	_ =	shalt  }
0x87: {  	_ =	shalt  }
.Lfunc_end0:
.L_simem_size_0:
called_computation_lowered:
.L_overlay_start_0:
0x88: {  	s2 =	sld [smem:$0x3FD9]  }
0x89: {  	s3 =	sld [smem:$0x3FFE];
	_ =	sdelay $0x1  }
0x8a: {  	s1 =	srdreg.scid  }
0x8b: {  	s0 =	sand.u32 $0x1, s1  }
0x8c: {  	s17 =	sshll.u32 s0, $0xA;
	s2 =	sadd.s32 s3, s2  }
0x8d: {  	s2 =	sadd.s32 s2, s17  }
0x8e: {  	[smem:$0x3FC4] =	sst s2  }
0x8f: {  	_ = 	snop  }
0x90: {  	s2 =	sld [smem:$0x3FD0];
	(tm) =	ssettm $0x1  }
0x91: {  	s18 =	sld [smem:$0x3FFB];
	_ =	sdelay $0x3  }
0x92: {  	_ =	strace s18  }
0x93: {  	s3 =	sld [smem:$0x3FFC];
	_ =	sdelay $0x3  }
0x94: {  	_ =	strace s3  }
0x95: {  	s3 =	sld [smem:$0x3FFD];
	_ =	sdelay $0x3  }
0x96: {  	_ =	strace s3  }
0x97: {  	_ =	strace $0x8FFFFFFF  }
0x98: {  	s19 =	sld [smem:$0x3FDB];
	_ =	sdelay $0x1  }
0x99: {  	s4 =	simm.s32 $_scs_section_size  }
0x9a: {  	s5 =	simm.s32 $_size__tile_overlayer_lowered;
	s6 =	simm.s32 $_tile_overlayer_lowered  }
0x9b: {  	s22 =	simm.s32 $0x1BFF;
	s21 =	sshll.u32 s6, $0x1;
	s3 =	sadd.s32 s4, s19  }
0x9c: {  	s7 =	simm.s32 $0x0;
	s20 =	sshll.u32 s5, $0x1;
	s5 =	sadd.s32 s21, s3  }
0x9d: {  	[timem:s7], [sflag:s22] =	dma.local [hbm:s5], s20  }
0x9e: {  	_ =	swait.ge [sflag:s22], s20  }
0x9f: {  	s4 =	ssub.s32 $0x0, s20;
	[sflag:s22] =	ssyncset.done $0x0  }
0xa0: {  	[sflag:s22] =	ssyncadd.s32 s4;
	_ =	sdelay $0x1  }
0xa1: {  	s23 =	simm.s32 $0x1B8B  }
0xa2: {  	_ =	swait.ge [sflag:s23], $0x1  }
0xa3: {  	[sflag:s23] =	ssyncset.done $0x0  }
0xa4: {  	s25 =	simm.s32 $0x1B8E;
	s24 =	sld [smem:$0x3FFE];
	[sflag:s23] =	ssyncadd.s32 $0xFFFFFFFF  }
0xa5: {  	s26 =	simm.s32 $execute0_lowered;
	[smem:$0x3FD2] =	sst s25  }
0xa6: {  	s5 =	sshll.u32 s26, $0x1;
	_ =	strace $0x80000046;
	[dreg:$0x1] =	wrdreg $0xFFFFFFFF  }
0xa7: {  	s28 =	simm.s32 $_size_execute0_lowered;
	s3 =	sadd.s32 s3, s5;
	[dreg:$0x0] =	wrdreg $0x0  }
0xa8: {  	s5 =	sshll.u32 s28, $0x1;
	[dreg:$0x2] =	wrdreg s3  }
0xa9: {  	[dreg:$0x3] =	wrdreg s5  }
0xaa: {  	[dreg:$0x4] =	wrdreg $0xC0  }
0xab: {  	_ =	task [dreg:s7], $0x5FFFF  }
0xac: {  	[dreg:$0x1] =	wrdreg $0xFFFFFFFF  }
0xad: {  	[dreg:$0x0] =	wrdreg $0x60  }
0xae: {  	[dreg:$0x2] =	wrdreg s24  }
0xaf: {  	[dreg:$0x3] =	wrdreg s2  }
0xb0: {  	[dreg:$0x4] =	wrdreg $0x9  }
0xb1: {  	_ =	task.clear_ibuf [dreg:s7], $0x5FFFF;
	_ =	strace $0x90000046  }
0xb2: {  	s29 =	simm.s32 $0x9;
	_ =	strace $0x80000048  }
0xb3: {  	_ =	swait.ge [sflag:s29], $0x1  }
0xb4: {  	[sflag:s29] =	ssyncadd.s32 $0xFFFFFFFF  }
0xb5: {  	_ =	strace $0x90000048  }
0xb6: {  	_ =	sfence  }
0xb7: {  	s30 =	sld [smem:$0x0];
	_ =	sdelay $0x2  }
0xb8: {  	s31 =	sshll.u32 s1, $0xD;
	s1 =	sshrl.u32 s1, $0x2  }
0xb9: {  	s3 =	sand.u32 $0x4000, s31;
	s1 =	sadd.s32 s1, s30  }
0xba: {  	s0 =	sor.u32 s3, s0;
	s1 =	sshll.u32 s1, $0x11  }
0xbb: {  	s0 =	sor.u32 s1, s0  }
0xbc: {  	s0 =	sadd.s32 $0x8F2B, s0  }
0xbd: {  	[sflag:s0] =	ssyncadd.remote.s32 $0x1  }
0xbe: {  	_ =	sfence.sel $0xFFFF  }
0xbf: {  	[dreg:$0x0] =	wrdreg $0xFFFFFFFF;
	(pc) =	sbr.abs _section_cstart, $3  }
0xc0: {  	[dreg:$0x1] =	wrdreg $0xFFFFFFFF  }
0xc1: {  	_ =	task.clear_ibuf [dreg:s7], $0x2FFFF;
	_ =	strace $0x9FFFFFFF  }
0xc2: {  	(tm) =	ssettm $0x7FFFFFFF  }
0xc3: {  	_ =	shalt  }
tec
execute0_lowered:
.L_overlay_start_1:
0x0: {  	(tag) =	ssettag $0x1  }
0x1: {  	s4 =	rddreg [dreg:$0x0];
	s1 =	srdreg.scid  }
0x2: {  	s0 =	stileid.u32;
	s6 =	rddreg [dreg:$0x1]  }
0x3: {  	s2 =	simm.s32 $0x0;
	s10 =	simm.s32 $0x6400;
	s11 =	simm.s32 $0x9600  }
0x4: {  	s12 =	simm.s32 $0x1;
	s3 =	sand.u32 $0x1, s1;
	s5 =	sshll.u32 s0, $0x1  }
0x5: {  	s13 =	simm.s32 $0x2;
	s14 =	simm.s32 $0xC800;
	s5 =	sor.u32 s3, s5  }
0x6: {  	s15 =	simm.s32 $0x0;
	[smem:$0x7FF] =	sst s2;
	s7 =	smul.u32 $0x6400, s5  }
0x7: {  	s1 =	rddreg [dreg:$0x2];
	_ =	strace $0x80000047;
	s8 =	ssub.s32 $0x2, s3  }
0x8: {  	s3 =	sadd.s32 $0x800, s4;
	s9 =	sshrl.u32 s8, $0x1;
	s7 =	sshrl.u32 s7, $0x3  }
0x9: {  	s31 =	sshll.u32 s5, $0x4;
	s8 =	ssub.s32 s8, s9;
	s7 =	sadd.s32 s7, s4  }
0xa: {  	s6 =	sadd.s32 s6, s31;
	s9 =	simm.s32 $0x3200;
	s4 =	sadd.s32 $0x1F200, s7  }
0xb: {  	s5 =	sadd.s32 $0x1F840, s7;
	s7 =	smax.u32 s8, $0x1;
	s8 =	simm.s32 $0x3  }
.LBB2_1:
0xc: {  	[tilespmem:s2], [sflag:$0x3] =	stream.linear.gather [hbm4b:s4+s2], $0x3200, $0x38;
	[tilespmem:$0xC880] =	vst v63  }
0xd: {  	_ =	swait.ge [sflag:s8], $0x3200  }
0xe: {  	[sflag:s8] =	ssyncset.done $0x0  }
0xf: {  	[sflag:s8] =	ssyncadd.s32 $0xFFFFCE00  }
0x10: {  	[tilespmem:s10], [sflag:$0x1] =	stream.indirect.gather [hbm4b:s3+s9], $0x1, s2, s9, $0xb8;
	[tilespmem:$0xC880] =	vst v63  }
0x11: {  	_ = 	snop  }
0x12: {  	[tilespmem:s9], [sflag:$0x3] =	stream.linear.gather [hbm4b:s5+s2], $0x3200, $0x38;
	[tilespmem:$0xC880] =	vst v63  }
0x13: {  	_ =	swait.ge [sflag:s8], $0x3200  }
0x14: {  	[sflag:s8] =	ssyncset.done $0x0  }
0x15: {  	[sflag:s8] =	ssyncadd.s32 $0xFFFFCE00  }
0x16: {  	[tilespmem:s11], [sflag:$0x2] =	stream.indirect.gather [hbm4b:s3+s9], $0x1, s9, s9, $0xb8;
	[tilespmem:$0xC880] =	vst v63  }
0x17: {  	_ =	swait.ge [sflag:s12], $0x3200  }
0x18: {  	[sflag:s12] =	ssyncset.done $0x0  }
0x19: {  	s18 =	simm.s32 $0x0;
	[sflag:s12] =	ssyncadd.s32 $0xFFFFCE00  }
0x1a: {  	v0 =	vld [tilespmem:s18+$0x6470]  }
0x1b: {  	v2 =	vld [tilespmem:s18+$0x6400]  }
0x1c: {  	v4 =	vld [tilespmem:s18+$0x6410]  }
0x1d: {  	v5 =	vld [tilespmem:s18+$0x6420]  }
0x1e: {  	v8 =	vld [tilespmem:s18+$0x6430]  }
0x1f: {  	v3 =	vimm.f32 $0.0e+00;
	v9 =	vimm.f32 $0.0e+00;
	v6 =	vld [tilespmem:s18+$0x6440]  }
0x20: {  	v10 =	vimm.f32 $0.0e+00;
	v7 =	vimm.f32 $0.0e+00;
	v11 =	vld [tilespmem:s18+$0x6450];
	v1 =	vadd.f32 v0, v3  }
0x21: {  	s16 =	simm.s32 $0x80;
	s17 =	simm.s32 $0x400;
	v12 =	vld [tilespmem:s18+$0x6460];
	v0 =	vadd.f32 v2, v3;
	v2 =	vadd.f32 v4, v3;
	v4 =	vimm.f32 $0.0e+00  }
.LBB2_2:
0x22: {  	p0 =	sne.s32 s17, $0xC600;
	v13 =	vld [tilespmem:s16+$0x6470];
	v3 =	vadd.f32 v5, v3  }
0x23: {  	v14 =	vld [tilespmem:s16+$0x6400];
	v4 =	vadd.f32 v8, v4  }
0x24: {  	v15 =	vld [tilespmem:s16+$0x6410];
	v9 =	vadd.f32 v6, v9  }
.Ltmp0:
0x25: {  	v5 =	vld [tilespmem:s16+$0x6420];
	v10 =	vadd.f32 v11, v10;
	(pc) =	sbr.rel @p0 .LBB2_2-.Ltmp0, $4  }
0x26: {  	v8 =	vld [tilespmem:s16+$0x6430];
	v7 =	vadd.f32 v12, v7  }
0x27: {  	v6 =	vld [tilespmem:s16+$0x6440];
	v1 =	vadd.f32 v13, v1  }
0x28: {  	v0 =	vadd.f32 v14, v0;
	v11 =	vld [tilespmem:s16+$0x6450]  }
0x29: {  	v2 =	vadd.f32 v15, v2;
	v12 =	vld [tilespmem:s16+$0x6460];
	s16 =	sshra.s32 s17, $0x2;
	s17 =	sadd.s32 $0x200, s17  }
0x2a: {  	v13 =	vld [tilespmem:s16+$0x6470]  }
0x2b: {  	v14 =	vld [tilespmem:s16+$0x6400]  }
0x2c: {  	v15 =	vld [tilespmem:s16+$0x6410]  }
0x2d: {  	v16 =	vld [tilespmem:s16+$0x6420]  }
0x2e: {  	v17 =	vld [tilespmem:s16+$0x6430]  }
0x2f: {  	v18 =	vld [tilespmem:s16+$0x6440]  }
0x30: {  	v19 =	vld [tilespmem:s16+$0x6450]  }
0x31: {  	v20 =	vld [tilespmem:s16+$0x6460];
	_ =	swait.ge [sflag:s13], $0x3200  }
0x32: {  	[sflag:s13] =	ssyncset.done $0x0  }
0x33: {  	s18 =	simm.s32 $0x0;
	[sflag:s13] =	ssyncadd.s32 $0xFFFFCE00  }
0x34: {  	v3 =	vadd.f32 v5, v3;
	v4 =	vadd.f32 v8, v4;
	v21 =	vld [tilespmem:s18+$0x9670]  }
0x35: {  	v8 =	vadd.f32 v6, v9;
	v9 =	vadd.f32 v11, v10;
	v10 =	vld [tilespmem:s18+$0x9600]  }
0x36: {  	v11 =	vadd.f32 v12, v7;
	v12 =	vadd.f32 v13, v1;
	v13 =	vld [tilespmem:s18+$0x9610]  }
0x37: {  	v6 =	vld [tilespmem:s18+$0x9620];
	v14 =	vadd.f32 v14, v0;
	v15 =	vadd.f32 v15, v2  }
0x38: {  	v7 =	vld [tilespmem:s18+$0x9630];
	v5 =	vadd.f32 v16, v3;
	v4 =	vadd.f32 v17, v4  }
0x39: {  	v3 =	vadd.f32 v18, v8;
	v2 =	vadd.f32 v19, v9;
	v8 =	vld [tilespmem:s18+$0x9640]  }
0x3a: {  	v9 =	vld [tilespmem:s18+$0x9650];
	v1 =	vadd.f32 v20, v11;
	v0 =	vadd.f32 v21, v12  }
0x3b: {  	s16 =	simm.s32 $0x80;
	s17 =	simm.s32 $0x400;
	v10 =	vadd.f32 v10, v14;
	v12 =	vld [tilespmem:s18+$0x9660];
	v11 =	vadd.f32 v13, v15  }
.LBB2_4:
0x3c: {  	p0 =	sne.s32 s17, $0xC600;
	v13 =	vld [tilespmem:s16+$0x9670];
	v5 =	vadd.f32 v6, v5  }
0x3d: {  	v14 =	vld [tilespmem:s16+$0x9600];
	v4 =	vadd.f32 v7, v4  }
0x3e: {  	v15 =	vld [tilespmem:s16+$0x9610];
	v3 =	vadd.f32 v8, v3  }
.Ltmp1:
0x3f: {  	v6 =	vld [tilespmem:s16+$0x9620];
	v2 =	vadd.f32 v9, v2;
	(pc) =	sbr.rel @p0 .LBB2_4-.Ltmp1, $4  }
0x40: {  	v7 =	vld [tilespmem:s16+$0x9630];
	v1 =	vadd.f32 v12, v1  }
0x41: {  	v8 =	vld [tilespmem:s16+$0x9640];
	v0 =	vadd.f32 v13, v0  }
0x42: {  	v10 =	vadd.f32 v14, v10;
	v9 =	vld [tilespmem:s16+$0x9650]  }
0x43: {  	v11 =	vadd.f32 v15, v11;
	v12 =	vld [tilespmem:s16+$0x9660];
	s16 =	sshra.s32 s17, $0x2;
	s17 =	sadd.s32 $0x200, s17  }
0x44: {  	v13 =	vld [tilespmem:s16+$0x9600]  }
0x45: {  	v14 =	vld [tilespmem:s16+$0x9610]  }
0x46: {  	v15 =	vld [tilespmem:s16+$0x9620]  }
0x47: {  	v16 =	vld [tilespmem:s16+$0x9630]  }
0x48: {  	v17 =	vld [tilespmem:s16+$0x9640]  }
0x49: {  	v5 =	vadd.f32 v6, v5;
	v60 =	vld [tilespmem:s16+$0x9650];
	v59 =	vadd.f32 v13, v10  }
0x4a: {  	v63 =	vld [tilespmem:s16+$0x9670];
	v4 =	vadd.f32 v7, v4;
	v61 =	vadd.f32 v14, v11  }
0x4b: {  	v62 =	vld [tilespmem:s16+$0x9660];
	v3 =	vadd.f32 v8, v3;
	v5 =	vadd.f32 v15, v5;
	v6 =	vmul.f32 $4.999999890e-03, v59  }
0x4c: {  	v2 =	vadd.f32 v9, v2;
	v4 =	vadd.f32 v16, v4;
	v7 =	vmul.f32 $4.999999890e-03, v61  }
0x4d: {  	v3 =	vadd.f32 v17, v3;
	v5 =	vmul.f32 $4.999999890e-03, v5;
	[tilespmem:$0xC800] =	vst v6  }
0x4e: {  	v1 =	vadd.f32 v12, v1;
	v2 =	vadd.f32 v60, v2;
	v4 =	vmul.f32 $4.999999890e-03, v4;
	[tilespmem:$0xC810] =	vst v7  }
0x4f: {  	v0 =	vadd.f32 v63, v0;
	v3 =	vmul.f32 $4.999999890e-03, v3;
	[tilespmem:$0xC820] =	vst v5  }
0x50: {  	v1 =	vadd.f32 v62, v1;
	v2 =	vmul.f32 $4.999999890e-03, v2;
	[tilespmem:$0xC830] =	vst v4  }
0x51: {  	v0 =	vmul.f32 $4.999999890e-03, v0;
	[tilespmem:$0xC840] =	vst v3  }
0x52: {  	s15 =	sadd.s32 $0x1, s15;
	v1 =	vmul.f32 $4.999999890e-03, v1;
	[tilespmem:$0xC850] =	vst v2  }
0x53: {  	p0 =	sne.s32 s15, s7;
	[tilespmem:$0xC870] =	vst v0  }
.Ltmp2:
0x54: {  	[tilespmem:$0xC860] =	vst v1;
	(pc) =	sbr.rel @p0 .LBB2_1-.Ltmp2, $4  }
0x55: {  	[hbm4b:s6+s2] =	stream.linear.scatter [tilespmem:s14], [sflag:$0x3], $0x80, $0x38;
	[tilespmem:$0xC880] =	vst v63  }
0x56: {  	_ =	swait.ge [sflag:s8], $0x80  }
0x57: {  	[sflag:s8] =	ssyncset.done $0x0  }
0x58: {  	[sflag:s8] =	ssyncadd.s32 $0xFFFFFF80  }
0x59: {  	_ =	sfence.sel $0x180000  }
0x5a: {  	[bflag:$0x0] =	sbarrier.arrive $0xFFFF  }
0x5b: {  	p0 =	sne.s32 s0, $0x0;
	_ =	strace $0x90000047  }
0x5c: {  	s0 =	sadd.s32 @!p0 $0x100000, s1;
	[bflag:$0x2] =	sbarrier.arrive $0xFFFF  }
0x5d: {  	[sflag:s0] =	ssyncadd.tile.s32 @!p0 $0x1;
	_ =	shalt  }
.Lfunc_end2:
_tile_overlayer_lowered:
.L_overlay_start_2:
0x5e: {  	(tag) =	ssettag $0x2  }
0x5f: {  	s0 =	rddreg [dreg:$0x0];
	s2 =	stileid.u32  }
0x60: {  	s1 =	rddreg [dreg:$0x1];
	p0 =	sne.s32 s2, $0x0  }
0x61: {  	s3 =	rddreg [dreg:$0x2];
	[bflag:$0x3] =	sbarrier.arrive $0xFFFF;
	s2 =	simm.s32 @!p0 $0x1C03  }
0x62: {  	[timem:s3], [sflag:s2] =	dma.local @!p0 [hbm:s0], s1  }
0x63: {  	s0 =	simm.s32 @!p0 $0x3  }
0x64: {  	_ =	swait.ge @!p0 [sflag:s0], s1  }
0x65: {  	s1 =	ssub.s32 @!p0 $0x0, s1;
	[sflag:s0] =	ssyncset.done @!p0 $0x0  }
0x66: {  	[sflag:s0] =	ssyncadd.s32 @!p0 s1  }
0x67: {  	[bflag:$0x3] =	sbarrier.arrive $0xFFFF  }
0x68: {  	_ =	shalt  }

</sc_bundles>
